<compile_context>
chip_gen: v7x
topology: tpu7x:2x2x1
jax: 0.10.2.dev20260603
libtpu: 0.0.44.dev20260713+nightly
codegen_flags: <defaults>
</compile_context>

<pallas_src>
import functools

import jax
import jax.numpy as jnp
from jax import lax
from jax.experimental import pallas as pl
from jax.experimental.pallas import tpu as pltpu
from jax.experimental.pallas import tpu_sc as plsc

N = 50000
D = 256
NZ_PAD = 128
S = 1024
BN = 5000
G = N // BN

NW = 32
N_PAD = 50176
CHUNK = N_PAD // NW
ROWS = CHUNK // 16
PIECE = 392


def _mlp_body(emb_ref, w1a_ref, b1_ref, pos_ref, an_ref, batch_ref,
              w1b_ref, w2_ref, b2_ref, w3_ref, b3_ref, e_ref, m_ref):
    i = pl.program_id(0)

    @pl.when(i == 0)
    def _compute_m():
        m_ref[...] = (
            jnp.dot(emb_ref[...], w1a_ref[...],
                    preferred_element_type=jnp.float32)
            + b1_ref[...]
        ).astype(jnp.bfloat16)

    an = an_ref[...]
    onehot_an = (an == jax.lax.broadcasted_iota(jnp.int32, (1, NZ_PAD), 1)
                 ).astype(jnp.bfloat16)
    pre1 = (
        jnp.dot(onehot_an, m_ref[...], preferred_element_type=jnp.float32)
        + jnp.dot(pos_ref[...], w1b_ref[...], preferred_element_type=jnp.float32)
    )
    x1 = (0.5 * pre1) * (1.0 + jnp.tanh(0.5 * pre1))
    pre2 = jnp.dot(x1.astype(jnp.bfloat16), w2_ref[...],
                   preferred_element_type=jnp.float32) + b2_ref[...]
    x2 = (0.5 * pre2) * (1.0 + jnp.tanh(0.5 * pre2))
    e_ref[...] = (jnp.dot(x2.astype(jnp.bfloat16), w3_ref[...],
                          preferred_element_type=jnp.float32)
                  + b3_ref[...])
    _ = batch_ref


def _sc_segsum(e_hbm, ids_hbm, zeros_hbm, out_hbm, e_v, ids_v, shared, sem,
               sem2):
    c = lax.axis_index("c")
    s = lax.axis_index("s")
    wid = s * 2 + c
    base = wid * CHUNK

    c_ids = pltpu.async_copy(ids_hbm.at[pl.ds(base, CHUNK)], ids_v, sem)
    c_e = pltpu.async_copy(e_hbm.at[pl.ds(base, CHUNK)], e_v, sem2)

    @pl.when(s == 0)
    def _zero_shared():
        pltpu.sync_copy(zeros_hbm, shared)

    plsc.subcore_barrier()
    c_ids.wait()
    c_e.wait()
    pltpu.async_copy(e_v, shared.at[ids_v], sem, add=True).wait()
    plsc.subcore_barrier()

    @pl.when(s == 0)
    def _writeback():
        pltpu.sync_copy(shared, out_hbm.at[c])


def _epilogue_body(partials_ref, out_ref):
    x = partials_ref[...]
    out_ref[...] = jnp.sum(jnp.sum(x, axis=2), axis=0, keepdims=True)


@functools.partial(jax.jit, static_argnames=())
def kernel(pos, emb, W1, b1, W2, b2, W3, b3, atomic_numbers, batch):
    pos_pad = jnp.pad(pos.astype(jnp.bfloat16), ((0, 0), (0, 5)))
    emb_pad = jnp.pad(emb, ((0, NZ_PAD - emb.shape[0]), (0, 0)))
    W1a = W1[:D, :]
    W1b = jnp.pad(W1[D:, :].astype(jnp.bfloat16), ((0, 5), (0, 0)))
    an2d = atomic_numbers.astype(jnp.int32).reshape(N, 1)
    batch2d = batch.astype(jnp.int32).reshape(N, 1)

    e2d = pl.pallas_call(
        _mlp_body,
        grid=(G,),
        in_specs=[
            pl.BlockSpec((NZ_PAD, D), lambda i: (0, 0)),
            pl.BlockSpec((D, D), lambda i: (0, 0)),
            pl.BlockSpec((1, D), lambda i: (0, 0)),
            pl.BlockSpec((BN, 8), lambda i: (i, 0)),
            pl.BlockSpec((BN, 1), lambda i: (i, 0)),
            pl.BlockSpec((BN, 1), lambda i: (i, 0)),
            pl.BlockSpec((8, D), lambda i: (0, 0)),
            pl.BlockSpec((D, D), lambda i: (0, 0)),
            pl.BlockSpec((1, D), lambda i: (0, 0)),
            pl.BlockSpec((D, 1), lambda i: (0, 0)),
            pl.BlockSpec((1, 1), lambda i: (0, 0)),
        ],
        out_specs=pl.BlockSpec((BN, 1), lambda i: (i, 0)),
        out_shape=jax.ShapeDtypeStruct((N, 1), jnp.float32),
        scratch_shapes=[pltpu.VMEM((NZ_PAD, D), jnp.bfloat16)],
    )(emb_pad, W1a, b1.reshape(1, D), pos_pad, an2d, batch2d, W1b,
      W2.astype(jnp.bfloat16), b2.reshape(1, D),
      W3.astype(jnp.bfloat16), b3.reshape(1, 1))

    e_rows = jnp.pad(e2d, ((0, N_PAD - N), (0, 7)))
    ids_flat = jnp.pad(batch2d.reshape(N), (0, N_PAD - N))
    zrows = jnp.zeros((S, 8), jnp.float32)

    sc_call = functools.partial(
        pl.kernel,
        mesh=plsc.VectorSubcoreMesh(core_axis_name="c", subcore_axis_name="s"),
        compiler_params=pltpu.CompilerParams(use_tc_tiling_on_sc=False),
        out_type=jax.ShapeDtypeStruct((2, S, 8), jnp.float32),
        scratch_types=[
            pltpu.VMEM((CHUNK, 8), jnp.float32),
            pltpu.VMEM((CHUNK,), jnp.int32),
            pltpu.VMEM_SHARED((S, 8), jnp.float32),
            pltpu.SemaphoreType.DMA,
            pltpu.SemaphoreType.DMA,
        ],
    )(_sc_segsum)
    partials = sc_call(e_rows, ids_flat, zrows)

    out = pl.pallas_call(
        _epilogue_body,
        out_shape=jax.ShapeDtypeStruct((1, S), jnp.float32),
    )(partials)

    return out.reshape(S)

# --- scband reference (transcript-rebuilt; emitter-appended) ---
"""Pipeline reference for scband-unified-model-84748294684796 (READ-ONLY COPY).

The authoritative reference and input builder live on the scoring server;
editing this copy changes nothing except your own understanding.
"""

import jax, jax.numpy as jnp
import numpy as np

N = 50000
D = 256
NZ = 100
S = 1024

def setup_inputs(seed: int = 0) -> dict:
    key = jax.random.key(seed)
    ks = jax.random.split(key, 8)
    pos = jax.random.normal(ks[0], (N, 3), dtype=jnp.float32)
    atomic_numbers = jax.random.randint(ks[1], (N,), 0, NZ, dtype=jnp.int64)
    batch = jnp.sort(jax.random.randint(ks[2], (N,), 0, S, dtype=jnp.int64))
    emb = jax.random.normal(ks[3], (NZ, D), dtype=jnp.float32) * 0.1
    W1 = jax.random.normal(ks[4], (D + 3, D), dtype=jnp.float32) * (1.0 / np.sqrt(D + 3))
    b1 = jnp.zeros((D,), dtype=jnp.float32)
    W2 = jax.random.normal(ks[5], (D, D), dtype=jnp.float32) * (1.0 / np.sqrt(D))
    b2 = jnp.zeros((D,), dtype=jnp.float32)
    W3 = jax.random.normal(ks[6], (D, 1), dtype=jnp.float32) * (1.0 / np.sqrt(D))
    b3 = jnp.zeros((1,), dtype=jnp.float32)
    return {"pos": pos, "emb": emb, "W1": W1, "b1": b1, "W2": W2, "b2": b2, "W3": W3, "b3": b3, "atomic_numbers": atomic_numbers, "batch": batch}


def reference(pos, emb, W1, b1, W2, b2, W3, b3, atomic_numbers, batch):
    # representation_model: atomic-number embedding gather + MLP over (emb, pos)
    h = jnp.take(emb, atomic_numbers, axis=0)          # [N, D] gather
    x = jnp.concatenate([h, pos], axis=-1)             # [N, D+3]
    x = jax.nn.silu(x @ W1 + b1)
    x = jax.nn.silu(x @ W2 + b2)
    # output_model.pre_reduce: per-atom energy head
    e_atom = (x @ W3 + b3)[:, 0]                       # [N]
    # scatter(pred_energy, batch, dim=0, reduce='add') -> per-molecule energy
    pred_energy = jax.ops.segment_sum(e_atom, batch, num_segments=S)  # [S]
    std = jnp.asarray(1.0, dtype=jnp.float32)
    mean = jnp.asarray(0.0, dtype=jnp.float32)
    pred_energy = pred_energy * std + mean
    return pred_energy

if __name__ == "__main__":
    import jax
    _d = setup_inputs()
    print(jax.jit(kernel)(*tuple(_d.values())))

</pallas_src>

<mosaic_0001>
#map = affine_map<(d0, d1) -> (0, 0)>
#map1 = affine_map<(d0, d1) -> (0)>
#map2 = affine_map<(d0, d1) -> (0, 0, 0)>
module attributes {stable_mosaic.version = 14 : i64} {
  func.func @_sc_segsum(%arg0: i32, %arg1: i32, %arg2: memref<50176x8xf32, #tpu.memory_space<hbm>>, %arg3: memref<50176xi32, #tpu.memory_space<hbm>>, %arg4: memref<1024x8xf32, #tpu.memory_space<hbm>>, %arg5: memref<2x1024x8xf32, #tpu.memory_space<hbm>>, %arg6: memref<1568x8xf32, #tpu.memory_space<vmem>>, %arg7: memref<1568xi32, #tpu.memory_space<vmem>>, %arg8: memref<1024x8xf32, #tpu.memory_space<vmem_shared>>, %arg9: memref<!tpu.dma_semaphore, #tpu.memory_space<semaphore_mem>>, %arg10: memref<!tpu.dma_semaphore, #tpu.memory_space<semaphore_mem>>) attributes {dimension_semantics = [#tpu.dimension_semantics<core_parallel>, #tpu.dimension_semantics<subcore_parallel>], iteration_bounds = array<i64: 2, 16>, scalar_prefetch = 0 : i64, scratch_operands = 5 : i64, tpu.core_type = #tpu.core_type<sc_vector_subcore>, window_params = [{transform_indices = #map}, {transform_indices = #map1}, {transform_indices = #map}, {transform_indices = #map2}]} {
    %mul3A = arith.constant 2 : i32
    %mul3A_0 = arith.muli %arg1, %mul3A : i32
    %add3A = arith.addi %mul3A_0, %arg0 : i32
    %mul3A_1 = arith.constant 1568 : i32
    %mul3A_2 = arith.muli %add3A, %mul3A_1 : i32
    %dma_start3A = tpu.memref_slice %arg3[%mul3A_2] : memref<50176xi32, #tpu.memory_space<hbm>> -> memref<1568xi32, #tpu.memory_space<hbm>>
    %dma_start3A_3 = tpu.memref_slice %arg3[%mul3A_2] : memref<50176xi32, #tpu.memory_space<hbm>> -> memref<1568xi32, #tpu.memory_space<hbm>>
    tpu.enqueue_dma source(%dma_start3A_3 : memref<1568xi32, #tpu.memory_space<hbm>>) target(%arg7 : memref<1568xi32, #tpu.memory_space<vmem>>) target_semaphore(%arg9 : memref<!tpu.dma_semaphore, #tpu.memory_space<semaphore_mem>>)
    %dma_start3A_4 = arith.constant 0 : i32
    %dma_start3A_5 = tpu.memref_slice %arg2[%mul3A_2, %dma_start3A_4] : memref<50176x8xf32, #tpu.memory_space<hbm>> -> memref<1568x8xf32, #tpu.memory_space<hbm>>
    %dma_start3A_6 = arith.constant 0 : i32
    %dma_start3A_7 = tpu.memref_slice %arg2[%mul3A_2, %dma_start3A_6] : memref<50176x8xf32, #tpu.memory_space<hbm>> -> memref<1568x8xf32, #tpu.memory_space<hbm>>
    tpu.enqueue_dma source(%dma_start3A_7 : memref<1568x8xf32, #tpu.memory_space<hbm>>) target(%arg6 : memref<1568x8xf32, #tpu.memory_space<vmem>>) target_semaphore(%arg10 : memref<!tpu.dma_semaphore, #tpu.memory_space<semaphore_mem>>)
    %eq3A = arith.constant 0 : i32
    %eq3A_8 = arith.cmpi eq, %arg1, %eq3A : i32
    %convert_element_type3A = arith.extui %eq3A_8 : i1 to i32
    %cond3A = arith.constant 0 : i32
    %cond3A_9 = arith.cmpi ne, %convert_element_type3A, %cond3A : i32
    scf.if %cond3A_9 {
      "tpu.region"() ({
        %run_scoped3A = tpu.sem_alloc : memref<!tpu.dma_semaphore, #tpu.memory_space<semaphore_mem>>
        tpu.enqueue_dma source(%arg4 : memref<1024x8xf32, #tpu.memory_space<hbm>>) target(%arg8 : memref<1024x8xf32, #tpu.memory_space<vmem_shared>>) target_semaphore(%run_scoped3A : memref<!tpu.dma_semaphore, #tpu.memory_space<semaphore_mem>>)
        tpu.wait_dma2 semaphore(%run_scoped3A : memref<!tpu.dma_semaphore, #tpu.memory_space<semaphore_mem>>) src(%arg4 : memref<1024x8xf32, #tpu.memory_space<hbm>>) dst(%arg8 : memref<1024x8xf32, #tpu.memory_space<vmem_shared>>)
        tpu.yield
      }) : () -> ()
    } else {
    }
    %barrier3A = arith.constant 0 : index
    tpu.barrier barrier_id(%barrier3A)
    %dma_wait3A = tpu.memref_slice %arg3[%mul3A_2] : memref<50176xi32, #tpu.memory_space<hbm>> -> memref<1568xi32, #tpu.memory_space<hbm>>
    %dma_wait3A_10 = tpu.memref_slice %arg3[%mul3A_2] : memref<50176xi32, #tpu.memory_space<hbm>> -> memref<1568xi32, #tpu.memory_space<hbm>>
    tpu.wait_dma2 semaphore(%arg9 : memref<!tpu.dma_semaphore, #tpu.memory_space<semaphore_mem>>) src(%dma_wait3A_10 : memref<1568xi32, #tpu.memory_space<hbm>>) dst(%arg7 : memref<1568xi32, #tpu.memory_space<vmem>>)
    %dma_wait3A_11 = arith.constant 0 : i32
    %dma_wait3A_12 = tpu.memref_slice %arg2[%mul3A_2, %dma_wait3A_11] : memref<50176x8xf32, #tpu.memory_space<hbm>> -> memref<1568x8xf32, #tpu.memory_space<hbm>>
    %dma_wait3A_13 = arith.constant 0 : i32
    %dma_wait3A_14 = tpu.memref_slice %arg2[%mul3A_2, %dma_wait3A_13] : memref<50176x8xf32, #tpu.memory_space<hbm>> -> memref<1568x8xf32, #tpu.memory_space<hbm>>
    tpu.wait_dma2 semaphore(%arg10 : memref<!tpu.dma_semaphore, #tpu.memory_space<semaphore_mem>>) src(%dma_wait3A_14 : memref<1568x8xf32, #tpu.memory_space<hbm>>) dst(%arg6 : memref<1568x8xf32, #tpu.memory_space<vmem>>)
    %dma_start3A_15 = arith.constant 0 : i32
    %dma_start3A_16 = arith.constant 0 : i32
    %dma_start3A_17 = tpu.memref_slice %arg8[%dma_start3A_15, %dma_start3A_16] : memref<1024x8xf32, #tpu.memory_space<vmem_shared>> -> memref<1024x8xf32, #tpu.memory_space<vmem_shared>>
    tpu.enqueue_indirect_dma source(%arg6 : memref<1568x8xf32, #tpu.memory_space<vmem>>) target(%dma_start3A_17 : memref<1024x8xf32, #tpu.memory_space<vmem_shared>>) offsets(%arg7 : memref<1568xi32, #tpu.memory_space<vmem>>) semaphore(%arg9 : memref<!tpu.dma_semaphore, #tpu.memory_space<semaphore_mem>>) {add = true}
    %dma_wait3A_18 = arith.constant 0 : i32
    %dma_wait3A_19 = arith.constant 0 : i32
    %dma_wait3A_20 = tpu.memref_slice %arg8[%dma_wait3A_18, %dma_wait3A_19] : memref<1024x8xf32, #tpu.memory_space<vmem_shared>> -> memref<1024x8xf32, #tpu.memory_space<vmem_shared>>
    tpu.wait_indirect_dma semaphore(%arg9 : memref<!tpu.dma_semaphore, #tpu.memory_space<semaphore_mem>>) src(%arg6 : memref<1568x8xf32, #tpu.memory_space<vmem>>) dst(%dma_wait3A_20 : memref<1024x8xf32, #tpu.memory_space<vmem_shared>>)
    %barrier3A_21 = arith.constant 0 : index
    tpu.barrier barrier_id(%barrier3A_21)
    %eq3A_22 = arith.constant 0 : i32
    %eq3A_23 = arith.cmpi eq, %arg1, %eq3A_22 : i32
    %convert_element_type3A_24 = arith.extui %eq3A_23 : i1 to i32
    %cond3A_25 = arith.constant 0 : i32
    %cond3A_26 = arith.cmpi ne, %convert_element_type3A_24, %cond3A_25 : i32
    scf.if %cond3A_26 {
      "tpu.region"() ({
        %run_scoped3A = tpu.sem_alloc : memref<!tpu.dma_semaphore, #tpu.memory_space<semaphore_mem>>
        %dma_start3A_27 = arith.constant 0 : i32
        %dma_start3A_28 = arith.constant 0 : i32
        %dma_start3A_29 = tpu.memref_slice %arg5[%arg0, %dma_start3A_27, %dma_start3A_28] : memref<2x1024x8xf32, #tpu.memory_space<hbm>> -> memref<1x1024x8xf32, #tpu.memory_space<hbm>>
        %dma_start3A_30 = tpu.memref_squeeze %dma_start3A_29 : memref<1x1024x8xf32, #tpu.memory_space<hbm>> -> memref<1024x8xf32, #tpu.memory_space<hbm>>
        tpu.enqueue_dma source(%arg8 : memref<1024x8xf32, #tpu.memory_space<vmem_shared>>) target(%dma_start3A_30 : memref<1024x8xf32, #tpu.memory_space<hbm>>) target_semaphore(%run_scoped3A : memref<!tpu.dma_semaphore, #tpu.memory_space<semaphore_mem>>)
        %dma_wait3A_31 = arith.constant 0 : i32
        %dma_wait3A_32 = arith.constant 0 : i32
        %dma_wait3A_33 = tpu.memref_slice %arg5[%arg0, %dma_wait3A_31, %dma_wait3A_32] : memref<2x1024x8xf32, #tpu.memory_space<hbm>> -> memref<1x1024x8xf32, #tpu.memory_space<hbm>>
        %dma_wait3A_34 = tpu.memref_squeeze %dma_wait3A_33 : memref<1x1024x8xf32, #tpu.memory_space<hbm>> -> memref<1024x8xf32, #tpu.memory_space<hbm>>
        tpu.wait_dma2 semaphore(%run_scoped3A : memref<!tpu.dma_semaphore, #tpu.memory_space<semaphore_mem>>) src(%arg8 : memref<1024x8xf32, #tpu.memory_space<vmem_shared>>) dst(%dma_wait3A_34 : memref<1024x8xf32, #tpu.memory_space<hbm>>)
        tpu.yield
      }) : () -> ()
    } else {
    }
    return
  }
}

module attributes {stable_mosaic.version = 14 : i64} {
  func.func @_mlp_body(%arg0: i32, %arg1: memref<128x256xf32, #tpu.memory_space<vmem>>, %arg2: memref<256x256xf32, #tpu.memory_space<vmem>>, %arg3: memref<1x256xf32, #tpu.memory_space<vmem>>, %arg4: memref<5000x8xbf16, #tpu.memory_space<vmem>>, %arg5: memref<5000x1xi32, #tpu.memory_space<vmem>>, %arg6: memref<5000x1xi32, #tpu.memory_space<vmem>>, %arg7: memref<8x256xbf16, #tpu.memory_space<vmem>>, %arg8: memref<256x256xbf16, #tpu.memory_space<vmem>>, %arg9: memref<1x256xf32, #tpu.memory_space<vmem>>, %arg10: memref<256x1xbf16, #tpu.memory_space<vmem>>, %arg11: memref<1x1xf32, #tpu.memory_space<vmem>>, %arg12: memref<5000x1xf32, #tpu.memory_space<vmem>>, %arg13: memref<128x256xbf16, #tpu.memory_space<vmem>>) attributes {dimension_semantics = [#tpu.dimension_semantics<arbitrary>], iteration_bounds = array<i64: 10>, scalar_prefetch = 0 : i64, scratch_operands = 1 : i64, tpu.core_type = #tpu.core_type<tc>, window_params = [{pipeline_mode = #tpu.pipeline_mode<synchronous>, transform_indices = @transform_0, window_bounds = array<i64: 128, 256>}, {pipeline_mode = #tpu.pipeline_mode<synchronous>, transform_indices = @transform_1, window_bounds = array<i64: 256, 256>}, {pipeline_mode = #tpu.pipeline_mode<synchronous>, transform_indices = @transform_2, window_bounds = array<i64: 1, 256>}, {transform_indices = @transform_3, window_bounds = array<i64: 5000, 8>}, {transform_indices = @transform_4, window_bounds = array<i64: 5000, 1>}, {transform_indices = @transform_5, window_bounds = array<i64: 5000, 1>}, {pipeline_mode = #tpu.pipeline_mode<synchronous>, transform_indices = @transform_6, window_bounds = array<i64: 8, 256>}, {pipeline_mode = #tpu.pipeline_mode<synchronous>, transform_indices = @transform_7, window_bounds = array<i64: 256, 256>}, {pipeline_mode = #tpu.pipeline_mode<synchronous>, transform_indices = @transform_8, window_bounds = array<i64: 1, 256>}, {pipeline_mode = #tpu.pipeline_mode<synchronous>, transform_indices = @transform_9, window_bounds = array<i64: 256, 1>}, {pipeline_mode = #tpu.pipeline_mode<synchronous>, transform_indices = @transform_10, window_bounds = array<i64: 1, 1>}, {transform_indices = @transform_11, window_bounds = array<i64: 5000, 1>}]} {
    %eq3A = arith.constant 0 : i32
    %eq3A_0 = arith.cmpi eq, %arg0, %eq3A : i32
    %convert_element_type3A = arith.extui %eq3A_0 : i1 to i32
    %cond3A = arith.constant 0 : i32
    %cond3A_1 = arith.cmpi ne, %convert_element_type3A, %cond3A : i32
    scf.if %cond3A_1 {
      %get3A_66 = arith.constant 0 : index
      %get3A_67 = arith.constant 0 : index
      %get3A_68 = vector.load %arg1[%get3A_66, %get3A_67] : memref<128x256xf32, #tpu.memory_space<vmem>>, vector<128x256xf32>
      %get3A_69 = arith.constant 0 : index
      %get3A_70 = arith.constant 0 : index
      %get3A_71 = vector.load %arg2[%get3A_69, %get3A_70] : memref<256x256xf32, #tpu.memory_space<vmem>>, vector<256x256xf32>
      %dot_general3A_72 = arith.constant dense<0.000000e+00> : vector<128x256xf32>
      %dot_general3A_73 = tpu.matmul %get3A_68, %get3A_71, %dot_general3A_72 {dimension_numbers = #tpu.dot_dimension_numbers<[1], [0], [0], [1], [0, 0, 1, 1], [], []>, transpose_lhs_hint = false} : vector<128x256xf32>, vector<256x256xf32>, vector<128x256xf32> -> vector<128x256xf32>
      %get3A_74 = arith.constant 0 : index
      %get3A_75 = arith.constant 0 : index
      %get3A_76 = vector.load %arg3[%get3A_74, %get3A_75] : memref<1x256xf32, #tpu.memory_space<vmem>>, vector<1x256xf32>
      %add3A_77 = vector.broadcast %get3A_76 : vector<1x256xf32> to vector<128x256xf32>
      %add3A_78 = arith.addf %dot_general3A_73, %add3A_77 : vector<128x256xf32>
      %convert_element_type3A_79 = arith.truncf %add3A_78 : vector<128x256xf32> to vector<128x256xbf16>
      %swap3A_80 = arith.constant 0 : index
      %swap3A_81 = arith.constant 0 : index
      %swap3A_82 = vector.load %arg13[%swap3A_80, %swap3A_81] : memref<128x256xbf16, #tpu.memory_space<vmem>>, vector<128x256xbf16>
      tpu.vector_store %arg13[%swap3A_80, %swap3A_81], %convert_element_type3A_79 {strides = array<i32>} : memref<128x256xbf16, #tpu.memory_space<vmem>>, vector<128x256xbf16>,
    } else {
    }
    %get3A = arith.constant 0 : index
    %get3A_2 = arith.constant 0 : index
    %get3A_3 = vector.load %arg5[%get3A, %get3A_2] : memref<5000x1xi32, #tpu.memory_space<vmem>>, vector<5000x1xi32>
    %iota3A = tpu.iota {dimensions = array<i32: 1>} : vector<1x128xi32>
    %eq3A_4 = vector.broadcast %get3A_3 : vector<5000x1xi32> to vector<5000x128xi32>
    %eq3A_5 = vector.broadcast %iota3A : vector<1x128xi32> to vector<5000x128xi32>
    %eq3A_6 = arith.cmpi eq, %eq3A_4, %eq3A_5 : vector<5000x128xi32>
    %convert_element_type3A_7 = arith.extui %eq3A_6 : vector<5000x128xi1> to vector<5000x128xi32>
    %convert_element_type3A_8 = arith.sitofp %convert_element_type3A_7 : vector<5000x128xi32> to vector<5000x128xf32>
    %convert_element_type3A_9 = arith.truncf %convert_element_type3A_8 : vector<5000x128xf32> to vector<5000x128xbf16>
    %get3A_10 = arith.constant 0 : index
    %get3A_11 = arith.constant 0 : index
    %get3A_12 = vector.load %arg13[%get3A_10, %get3A_11] : memref<128x256xbf16, #tpu.memory_space<vmem>>, vector<128x256xbf16>
    %dot_general3A = arith.constant dense<0.000000e+00> : vector<5000x256xf32>
    %dot_general3A_13 = tpu.matmul %convert_element_type3A_9, %get3A_12, %dot_general3A {dimension_numbers = #tpu.dot_dimension_numbers<[1], [0], [0], [1], [0, 0, 1, 1], [], []>, transpose_lhs_hint = false} : vector<5000x128xbf16>, vector<128x256xbf16>, vector<5000x256xf32> -> vector<5000x256xf32>
    %get3A_14 = arith.constant 0 : index
    %get3A_15 = arith.constant 0 : index
    %get3A_16 = vector.load %arg4[%get3A_14, %get3A_15] : memref<5000x8xbf16, #tpu.memory_space<vmem>>, vector<5000x8xbf16>
    %get3A_17 = arith.constant 0 : index
    %get3A_18 = arith.constant 0 : index
    %get3A_19 = vector.load %arg7[%get3A_17, %get3A_18] : memref<8x256xbf16, #tpu.memory_space<vmem>>, vector<8x256xbf16>
    %dot_general3A_20 = arith.constant dense<0.000000e+00> : vector<5000x256xf32>
    %dot_general3A_21 = tpu.matmul %get3A_16, %get3A_19, %dot_general3A_20 {dimension_numbers = #tpu.dot_dimension_numbers<[1], [0], [0], [1], [0, 0, 1, 1], [], []>, transpose_lhs_hint = false} : vector<5000x8xbf16>, vector<8x256xbf16>, vector<5000x256xf32> -> vector<5000x256xf32>
    %add3A = arith.addf %dot_general3A_13, %dot_general3A_21 : vector<5000x256xf32>
    %mul3A = arith.constant 5.000000e-01 : f32
    %mul3A_22 = vector.broadcast %mul3A : f32 to vector<5000x256xf32>
    %mul3A_23 = arith.mulf %mul3A_22, %add3A : vector<5000x256xf32>
    %mul3A_24 = arith.constant 5.000000e-01 : f32
    %mul3A_25 = vector.broadcast %mul3A_24 : f32 to vector<5000x256xf32>
    %mul3A_26 = arith.mulf %mul3A_25, %add3A : vector<5000x256xf32>
    %tanh3A = math.tanh %mul3A_26 : vector<5000x256xf32>
    %add3A_27 = arith.constant 1.000000e+00 : f32
    %add3A_28 = vector.broadcast %add3A_27 : f32 to vector<5000x256xf32>
    %add3A_29 = arith.addf %add3A_28, %tanh3A : vector<5000x256xf32>
    %mul3A_30 = arith.mulf %mul3A_23, %add3A_29 : vector<5000x256xf32>
    %convert_element_type3A_31 = arith.truncf %mul3A_30 : vector<5000x256xf32> to vector<5000x256xbf16>
    %get3A_32 = arith.constant 0 : index
    %get3A_33 = arith.constant 0 : index
    %get3A_34 = vector.load %arg8[%get3A_32, %get3A_33] : memref<256x256xbf16, #tpu.memory_space<vmem>>, vector<256x256xbf16>
    %dot_general3A_35 = arith.constant dense<0.000000e+00> : vector<5000x256xf32>
    %dot_general3A_36 = tpu.matmul %convert_element_type3A_31, %get3A_34, %dot_general3A_35 {dimension_numbers = #tpu.dot_dimension_numbers<[1], [0], [0], [1], [0, 0, 1, 1], [], []>, transpose_lhs_hint = false} : vector<5000x256xbf16>, vector<256x256xbf16>, vector<5000x256xf32> -> vector<5000x256xf32>
    %get3A_37 = arith.constant 0 : index
    %get3A_38 = arith.constant 0 : index
    %get3A_39 = vector.load %arg9[%get3A_37, %get3A_38] : memref<1x256xf32, #tpu.memory_space<vmem>>, vector<1x256xf32>
    %add3A_40 = vector.broadcast %get3A_39 : vector<1x256xf32> to vector<5000x256xf32>
    %add3A_41 = arith.addf %dot_general3A_36, %add3A_40 : vector<5000x256xf32>
    %mul3A_42 = arith.constant 5.000000e-01 : f32
    %mul3A_43 = vector.broadcast %mul3A_42 : f32 to vector<5000x256xf32>
    %mul3A_44 = arith.mulf %mul3A_43, %add3A_41 : vector<5000x256xf32>
    %mul3A_45 = arith.constant 5.000000e-01 : f32
    %mul3A_46 = vector.broadcast %mul3A_45 : f32 to vector<5000x256xf32>
    %mul3A_47 = arith.mulf %mul3A_46, %add3A_41 : vector<5000x256xf32>
    %tanh3A_48 = math.tanh %mul3A_47 : vector<5000x256xf32>
    %add3A_49 = arith.constant 1.000000e+00 : f32
    %add3A_50 = vector.broadcast %add3A_49 : f32 to vector<5000x256xf32>
    %add3A_51 = arith.addf %add3A_50, %tanh3A_48 : vector<5000x256xf32>
    %mul3A_52 = arith.mulf %mul3A_44, %add3A_51 : vector<5000x256xf32>
    %convert_element_type3A_53 = arith.truncf %mul3A_52 : vector<5000x256xf32> to vector<5000x256xbf16>
    %get3A_54 = arith.constant 0 : index
    %get3A_55 = arith.constant 0 : index
    %get3A_56 = vector.load %arg10[%get3A_54, %get3A_55] : memref<256x1xbf16, #tpu.memory_space<vmem>>, vector<256x1xbf16>
    %dot_general3A_57 = arith.constant dense<0.000000e+00> : vector<5000x1xf32>
    %dot_general3A_58 = tpu.matmul %convert_element_type3A_53, %get3A_56, %dot_general3A_57 {dimension_numbers = #tpu.dot_dimension_numbers<[1], [0], [0], [1], [0, 0, 1, 1], [], []>, transpose_lhs_hint = false} : vector<5000x256xbf16>, vector<256x1xbf16>, vector<5000x1xf32> -> vector<5000x1xf32>
    %get3A_59 = arith.constant 0 : index
    %get3A_60 = arith.constant 0 : index
    %get3A_61 = vector.load %arg11[%get3A_59, %get3A_60] : memref<1x1xf32, #tpu.memory_space<vmem>>, vector<1x1xf32>
    %add3A_62 = vector.broadcast %get3A_61 : vector<1x1xf32> to vector<5000x1xf32>
    %add3A_63 = arith.addf %dot_general3A_58, %add3A_62 : vector<5000x1xf32>
    %swap3A = arith.constant 0 : index
    %swap3A_64 = arith.constant 0 : index
    %swap3A_65 = vector.load %arg12[%swap3A, %swap3A_64] : memref<5000x1xf32, #tpu.memory_space<vmem>>, vector<5000x1xf32>
    tpu.vector_store %arg12[%swap3A, %swap3A_64], %add3A_63 {strides = array<i32>} : memref<5000x1xf32, #tpu.memory_space<vmem>>, vector<5000x1xf32>,
    return
  }
  func.func @transform_0(%arg0: i32) -> (i32, i32) {
    %c0_i32 = arith.constant 0 : i32
    %c0_i32_0 = arith.constant 0 : i32
    %c0_i32_1 = arith.constant 0 : i32
    return %c0_i32, %c0_i32_0 : i32, i32
  }
  func.func @transform_1(%arg0: i32) -> (i32, i32) {
    %c0_i32 = arith.constant 0 : i32
    %c0_i32_0 = arith.constant 0 : i32
    %c0_i32_1 = arith.constant 0 : i32
    return %c0_i32, %c0_i32_0 : i32, i32
  }
  func.func @transform_2(%arg0: i32) -> (i32, i32) {
    %c0_i32 = arith.constant 0 : i32
    %c0_i32_0 = arith.constant 0 : i32
    %c0_i32_1 = arith.constant 0 : i32
    return %c0_i32, %c0_i32_0 : i32, i32
  }
  func.func @transform_3(%arg0: i32) -> (i32, i32) {
    %c0_i32 = arith.constant 0 : i32
    %c0_i32_0 = arith.constant 0 : i32
    return %arg0, %c0_i32 : i32, i32
  }
  func.func @transform_4(%arg0: i32) -> (i32, i32) {
    %c0_i32 = arith.constant 0 : i32
    %c0_i32_0 = arith.constant 0 : i32
    return %arg0, %c0_i32 : i32, i32
  }
  func.func @transform_5(%arg0: i32) -> (i32, i32) {
    %c0_i32 = arith.constant 0 : i32
    %c0_i32_0 = arith.constant 0 : i32
    return %arg0, %c0_i32 : i32, i32
  }
  func.func @transform_6(%arg0: i32) -> (i32, i32) {
    %c0_i32 = arith.constant 0 : i32
    %c0_i32_0 = arith.constant 0 : i32
    %c0_i32_1 = arith.constant 0 : i32
    return %c0_i32, %c0_i32_0 : i32, i32
  }
  func.func @transform_7(%arg0: i32) -> (i32, i32) {
    %c0_i32 = arith.constant 0 : i32
    %c0_i32_0 = arith.constant 0 : i32
    %c0_i32_1 = arith.constant 0 : i32
    return %c0_i32, %c0_i32_0 : i32, i32
  }
  func.func @transform_8(%arg0: i32) -> (i32, i32) {
    %c0_i32 = arith.constant 0 : i32
    %c0_i32_0 = arith.constant 0 : i32
    %c0_i32_1 = arith.constant 0 : i32
    return %c0_i32, %c0_i32_0 : i32, i32
  }
  func.func @transform_9(%arg0: i32) -> (i32, i32) {
    %c0_i32 = arith.constant 0 : i32
    %c0_i32_0 = arith.constant 0 : i32
    %c0_i32_1 = arith.constant 0 : i32
    return %c0_i32, %c0_i32_0 : i32, i32
  }
  func.func @transform_10(%arg0: i32) -> (i32, i32) {
    %c0_i32 = arith.constant 0 : i32
    %c0_i32_0 = arith.constant 0 : i32
    %c0_i32_1 = arith.constant 0 : i32
    return %c0_i32, %c0_i32_0 : i32, i32
  }
  func.func @transform_11(%arg0: i32) -> (i32, i32) {
    %c0_i32 = arith.constant 0 : i32
    %c0_i32_0 = arith.constant 0 : i32
    return %arg0, %c0_i32 : i32, i32
  }
}

module attributes {stable_mosaic.version = 14 : i64} {
  func.func @_epilogue_body(%arg0: memref<2x1024x8xf32, #tpu.memory_space<vmem>>, %arg1: memref<1x1024xf32, #tpu.memory_space<vmem>>) attributes {dimension_semantics = [], scalar_prefetch = 0 : i64, scratch_operands = 0 : i64, tpu.core_type = #tpu.core_type<tc>} {
    %get3A = arith.constant 0 : index
    %get3A_0 = arith.constant 0 : index
    %get3A_1 = arith.constant 0 : index
    %get3A_2 = vector.load %arg0[%get3A, %get3A_0, %get3A_1] : memref<2x1024x8xf32, #tpu.memory_space<vmem>>, vector<2x1024x8xf32>
    %reduce_sum3A = arith.constant dense<0.000000e+00> : vector<2x1024xf32>
    %reduce_sum3A_3 = vector.multi_reduction <add>, %get3A_2, %reduce_sum3A [2] : vector<2x1024x8xf32> to vector<2x1024xf32>
    %reduce_sum3A_4 = arith.constant dense<0.000000e+00> : vector<1024xf32>
    %reduce_sum3A_5 = vector.multi_reduction <add>, %reduce_sum3A_3, %reduce_sum3A_4 [0] : vector<2x1024xf32> to vector<1024xf32>
    %broadcast_in_dim3A = vector.shape_cast %reduce_sum3A_5 : vector<1024xf32> to vector<1x1024xf32>
    %swap3A = arith.constant 0 : index
    %swap3A_6 = arith.constant 0 : index
    %swap3A_7 = vector.load %arg1[%swap3A, %swap3A_6] : memref<1x1024xf32, #tpu.memory_space<vmem>>, vector<1x1024xf32>
    tpu.vector_store %arg1[%swap3A, %swap3A_6], %broadcast_in_dim3A {strides = array<i32>} : memref<1x1024xf32, #tpu.memory_space<vmem>>, vector<1x1024xf32>,
    return
  }
}

</mosaic_0001>

<sc_bundles>
// kernel: kernel.5.cloned.1.call-start
scs
__scs_entry_jumppad:
0x0: {  	(pc) =	sbr.rel $0x88, $3  }
0x1: {  	(tag) =	ssettag $0x0;
	lr =	simm.s32 $0x1  }
0x2: {  	[smem:$0x3F97] =	sst lr;
	_ =	strace $0xD0000000  }
0x3: {  	_ = 	snop  }
0x4: {  	_ = 	snop  }
0x5: {  	_ = 	snop  }
0x6: {  	_ = 	snop  }
0x7: {  	_ = 	snop  }
__scs_overlays_trampoline_lowered:
0x8: {  	[smem:$0x3FA6] =	sst s0  }
0x9: {  	[smem:$0x3FA7] =	sst s1  }
0xa: {  	[smem:$0x3FA8] =	sst s2  }
0xb: {  	[smem:$0x3FA9] =	sst s3  }
0xc: {  	[smem:$0x3FAA] =	sst s4  }
0xd: {  	[smem:$0x3FAB] =	sst s5  }
0xe: {  	[smem:$0x3FAC] =	sst s6  }
0xf: {  	[smem:$0x3FAD] =	sst s7  }
0x10: {  	[smem:$0x3FAE] =	sst s8  }
0x11: {  	[smem:$0x3FAF] =	sst s9;
	s0 =	simm.s32 @!p0 $0x0  }
0x12: {  	s1 =	sld [smem:$0x3F95];
	s0 =	simm.s32 @p0 $0x1  }
0x13: {  	[smem:$0x3FB0] =	sst s0;
	s0 =	simm.s32 @!p1 $0x0  }
0x14: {  	s2 =	sld [smem:$0x3F94];
	s0 =	simm.s32 @p1 $0x1  }
0x15: {  	[smem:$0x3FB1] =	sst s0;
	s0 =	simm.s32 @!p2 $0x0  }
0x16: {  	s3 =	sld [smem:$0x3FDB];
	s0 =	simm.s32 @p2 $0x1  }
0x17: {  	s4 =	simm.s32 $0x1BF5;
	[smem:$0x3FB3] =	sst s0  }
0x18: {  	s0 =	sld [smem:$0x3F96];
	_ =	swait.ge [sflag:s4], $0x0  }
0x19: {  	s7 =	sld [smem:$0x3F97]  }
0x1a: {  	s8 =	sadd.s32 $0xFFFFE003, lr  }
0x1b: {  	s9 =	sadd.s32 $0xFFFFFEF7, lr;
	s5 =	simm.s32 $0xFFFFFFFF;
	p2 =	slt.u32 s8, $0xFFFFF086  }
0x1c: {  	p1 =	slt.u32 s9, $0xF7A;
	s5 =	simm.s32 @!p2 $0x0  }
0x1d: {  	s5 =	simm.s32 @p1 $0x1;
	p0 =	seq.s32 s7, s2  }
0x1e: {  	s7 =	smul.u32 @!p0 $0xF7A, s2;
	p2 =	seq.s32 @!p0 s5, $0x0  }
0x1f: {  	s9 =	smul.u32 $0xF7A, s1;
	s8 =	simm.s32 @!p0 $0x1BF5;
	p2 =	por !p2, p0  }
0x20: {  	[sflag:s8] =	ssyncset.s32 @!p0 $0xFFFFF086;
	s6 =	sadd.s32 @!p0 s3, s7;
	s7 =	simm.s32 @!p0 $0x108  }
0x21: {  	s3 =	sadd.s32 s3, s9;
	s6 =	sadd.s32 @!p0 $0x88, s6;
	s7 =	simm.s32 @p2 $0x1082  }
0x22: {  	[simem:s7], [sflag:s8] =	dma.local @!p0 [hbm:s6], $0xF7A  }
0x23: {  	s9 =	sor.u32 $0xD0000000, s2;
	s6 =	simm.s32 $0x108;
	_ =	swait.ge @!p0 [sflag:s8], $0x0  }
0x24: {  	s3 =	sadd.s32 $0x88, s3;
	s6 =	simm.s32 @!p1 $0x1082;
	[sflag:s4] =	ssyncset.s32 $0xFFFFF086  }
0x25: {  	[simem:s6], [sflag:s4] =	dma.local [hbm:s3], $0xF7A  }
0x26: {  	[smem:$0x3F97] =	sst s1;
	(tag) =	ssettag s2;
	_ =	strace s9  }
0x27: {  	s1 =	sld [smem:$0x3FA7]  }
0x28: {  	s2 =	sld [smem:$0x3FA8]  }
0x29: {  	s4 =	sld [smem:$0x3FAA]  }
0x2a: {  	p0 =	seq.s32 s5, $0x0;
	s5 =	sld [smem:$0x3FAB]  }
0x2b: {  	s6 =	sld [smem:$0x3FAC]  }
0x2c: {  	s7 =	sld [smem:$0x3FAD]  }
0x2d: {  	s3 =	simm.s32 $0x108;
	s8 =	sld [smem:$0x3FAE]  }
0x2e: {  	s3 =	simm.s32 @!p0 $0x1082;
	s9 =	sld [smem:$0x3FAF]  }
0x2f: {  	lr =	sadd.s32 s0, s3;
	s0 =	sld [smem:$0x3FA6]  }
0x30: {  	s3 =	sld [smem:$0x3FA9]  }
0x31: {  	[smem:$0x3FB2] =	sst s10  }
0x32: {  	s10 =	sld [smem:$0x3FB0];
	_ =	sdelay $0x3  }
0x33: {  	p0 =	seq.s32 s10, $0x1;
	s10 =	sld [smem:$0x3FB2];
	_ =	sdelay $0x3  }
0x34: {  	[smem:$0x3FB2] =	sst s10  }
0x35: {  	s10 =	sld [smem:$0x3FB1];
	_ =	sdelay $0x3  }
0x36: {  	p1 =	seq.s32 s10, $0x1;
	s10 =	sld [smem:$0x3FB2];
	_ =	sdelay $0x3  }
0x37: {  	[smem:$0x3FB2] =	sst s10  }
0x38: {  	s10 =	sld [smem:$0x3FB3]  }
0x39: {  	_ = 	snop;
	(pc) =	sbr.ind lr, $3  }
0x3a: {  	_ = 	snop  }
0x3b: {  	_ = 	snop  }
0x3c: {  	p2 =	seq.s32 s10, $0x1;
	s10 =	sld [smem:$0x3FB2]  }
0x3d: {  	_ =	shalt  }
0x3e: {  	_ =	shalt  }
0x3f: {  	_ =	shalt  }
0x40: {  	_ =	shalt  }
0x41: {  	_ =	shalt  }
0x42: {  	_ =	shalt  }
0x43: {  	_ =	shalt  }
0x44: {  	_ =	shalt  }
0x45: {  	_ =	shalt  }
0x46: {  	_ =	shalt  }
0x47: {  	_ =	shalt  }
0x48: {  	_ =	shalt  }
0x49: {  	_ =	shalt  }
0x4a: {  	_ =	shalt  }
0x4b: {  	_ =	shalt  }
0x4c: {  	_ =	shalt  }
0x4d: {  	_ =	shalt  }
0x4e: {  	_ =	shalt  }
0x4f: {  	_ =	shalt  }
0x50: {  	_ =	shalt  }
0x51: {  	_ =	shalt  }
0x52: {  	_ =	shalt  }
0x53: {  	_ =	shalt  }
0x54: {  	_ =	shalt  }
0x55: {  	_ =	shalt  }
0x56: {  	_ =	shalt  }
0x57: {  	_ =	shalt  }
0x58: {  	_ =	shalt  }
0x59: {  	_ =	shalt  }
0x5a: {  	_ =	shalt  }
0x5b: {  	_ =	shalt  }
0x5c: {  	_ =	shalt  }
0x5d: {  	_ =	shalt  }
0x5e: {  	_ =	shalt  }
0x5f: {  	_ =	shalt  }
0x60: {  	_ =	shalt  }
0x61: {  	_ =	shalt  }
0x62: {  	_ =	shalt  }
0x63: {  	_ =	shalt  }
0x64: {  	_ =	shalt  }
0x65: {  	_ =	shalt  }
0x66: {  	_ =	shalt  }
0x67: {  	_ =	shalt  }
0x68: {  	_ =	shalt  }
0x69: {  	_ =	shalt  }
0x6a: {  	_ =	shalt  }
0x6b: {  	_ =	shalt  }
0x6c: {  	_ =	shalt  }
0x6d: {  	_ =	shalt  }
0x6e: {  	_ =	shalt  }
0x6f: {  	_ =	shalt  }
0x70: {  	_ =	shalt  }
0x71: {  	_ =	shalt  }
0x72: {  	_ =	shalt  }
0x73: {  	_ =	shalt  }
0x74: {  	_ =	shalt  }
0x75: {  	_ =	shalt  }
0x76: {  	_ =	shalt  }
0x77: {  	_ =	shalt  }
0x78: {  	_ =	shalt  }
0x79: {  	_ =	shalt  }
0x7a: {  	_ =	shalt  }
0x7b: {  	_ =	shalt  }
0x7c: {  	_ =	shalt  }
0x7d: {  	_ =	shalt  }
0x7e: {  	_ =	shalt  }
0x7f: {  	_ =	shalt  }
0x80: {  	_ =	shalt  }
0x81: {  	_ =	shalt  }
0x82: {  	_ =	shalt  }
0x83: {  	_ =	shalt  }
0x84: {  	_ =	shalt  }
0x85: {  	_ =	shalt  }
0x86: {  	_ =	shalt  }
0x87: {  	_ =	shalt  }
.Lfunc_end0:
.L_simem_size_0:
called_computation_lowered:
.L_overlay_start_0:
0x88: {  	s2 =	sld [smem:$0x3FD9]  }
0x89: {  	s3 =	sld [smem:$0x3FFE];
	_ =	sdelay $0x1  }
0x8a: {  	s1 =	srdreg.scid  }
0x8b: {  	s0 =	sand.u32 $0x1, s1  }
0x8c: {  	s16 =	sshll.u32 s0, $0xA;
	s2 =	sadd.s32 s3, s2  }
0x8d: {  	s2 =	sadd.s32 s2, s16  }
0x8e: {  	[smem:$0x3FBE] =	sst s2  }
0x8f: {  	_ = 	snop  }
0x90: {  	(tm) =	ssettm $0x1  }
0x91: {  	s17 =	sld [smem:$0x3FFB];
	_ =	sdelay $0x3  }
0x92: {  	_ =	strace s17  }
0x93: {  	s2 =	sld [smem:$0x3FFC];
	_ =	sdelay $0x3  }
0x94: {  	_ =	strace s2  }
0x95: {  	s2 =	sld [smem:$0x3FFD];
	_ =	sdelay $0x3  }
0x96: {  	_ =	strace s2  }
0x97: {  	_ =	strace $0x8FFFFFFF  }
0x98: {  	s18 =	sld [smem:$0x3FDB];
	_ =	sdelay $0x1  }
0x99: {  	s19 =	simm.s32 $_scs_section_size  }
0x9a: {  	s4 =	simm.s32 $_size__tile_overlayer_lowered;
	s5 =	simm.s32 $_tile_overlayer_lowered  }
0x9b: {  	s22 =	simm.s32 $0x1BFF;
	s21 =	sshll.u32 s5, $0x1;
	s2 =	sadd.s32 s19, s18  }
0x9c: {  	s6 =	simm.s32 $0x0;
	s20 =	sshll.u32 s4, $0x1;
	s4 =	sadd.s32 s21, s2  }
0x9d: {  	[timem:s6], [sflag:s22] =	dma.local [hbm:s4], s20  }
0x9e: {  	_ =	swait.ge [sflag:s22], s20  }
0x9f: {  	s3 =	ssub.s32 $0x0, s20;
	[sflag:s22] =	ssyncset.done $0x0  }
0xa0: {  	[sflag:s22] =	ssyncadd.s32 s3;
	_ =	sdelay $0x1  }
0xa1: {  	s23 =	simm.s32 $0x1B8B  }
0xa2: {  	_ =	swait.ge [sflag:s23], $0x1  }
0xa3: {  	[sflag:s23] =	ssyncset.done $0x0  }
0xa4: {  	s25 =	simm.s32 $0x1B8E;
	s24 =	sld [smem:$0x3FFE];
	[sflag:s23] =	ssyncadd.s32 $0xFFFFFFFF  }
0xa5: {  	s26 =	simm.s32 $execute0_lowered;
	[smem:$0x3FD2] =	sst s25  }
0xa6: {  	s4 =	sshll.u32 s26, $0x1;
	_ =	strace $0x80000046;
	[dreg:$0x1] =	wrdreg $0xFFFFFFFF  }
0xa7: {  	s28 =	simm.s32 $_size_execute0_lowered;
	s2 =	sadd.s32 s2, s4;
	[dreg:$0x0] =	wrdreg $0x0  }
0xa8: {  	s4 =	sshll.u32 s28, $0x1;
	[dreg:$0x2] =	wrdreg s2  }
0xa9: {  	[dreg:$0x3] =	wrdreg s4  }
0xaa: {  	[dreg:$0x4] =	wrdreg $0xC0  }
0xab: {  	_ =	task [dreg:s6], $0x5FFFF  }
0xac: {  	[dreg:$0x1] =	wrdreg $0xFFFFFFFF  }
0xad: {  	[dreg:$0x0] =	wrdreg $0x60  }
0xae: {  	[dreg:$0x2] =	wrdreg s24  }
0xaf: {  	[dreg:$0x3] =	wrdreg $0x37200  }
0xb0: {  	[dreg:$0x4] =	wrdreg $0x9  }
0xb1: {  	_ =	task.clear_ibuf [dreg:s6], $0x5FFFF;
	_ =	strace $0x90000046  }
0xb2: {  	s29 =	simm.s32 $0x9;
	_ =	strace $0x80000048  }
0xb3: {  	_ =	swait.ge [sflag:s29], $0x1  }
0xb4: {  	[sflag:s29] =	ssyncadd.s32 $0xFFFFFFFF  }
0xb5: {  	_ =	strace $0x90000048  }
0xb6: {  	_ =	sfence  }
0xb7: {  	s30 =	sld [smem:$0x0];
	_ =	sdelay $0x2  }
0xb8: {  	s31 =	sshll.u32 s1, $0xD;
	s1 =	sshrl.u32 s1, $0x2  }
0xb9: {  	s3 =	sand.u32 $0x4000, s31;
	s1 =	sadd.s32 s1, s30  }
0xba: {  	s0 =	sor.u32 s3, s0;
	s1 =	sshll.u32 s1, $0x11  }
0xbb: {  	s0 =	sor.u32 s1, s0  }
0xbc: {  	s0 =	sadd.s32 $0x8F2B, s0  }
0xbd: {  	[sflag:s0] =	ssyncadd.remote.s32 $0x1  }
0xbe: {  	_ =	sfence.sel $0xFFFF  }
0xbf: {  	[dreg:$0x0] =	wrdreg $0xFFFFFFFF;
	(pc) =	sbr.abs _section_cstart, $3  }
0xc0: {  	[dreg:$0x1] =	wrdreg $0xFFFFFFFF  }
0xc1: {  	_ =	task.clear_ibuf [dreg:s6], $0x2FFFF;
	_ =	strace $0x9FFFFFFF  }
0xc2: {  	(tm) =	ssettm $0x7FFFFFFF  }
0xc3: {  	_ =	shalt  }
tec
execute0_lowered:
.L_overlay_start_1:
0x0: {  	(tag) =	ssettag $0x1  }
0x1: {  	s0 =	srdreg.scid;
	s6 =	stileid.u32  }
0x2: {  	s13 =	rddreg [dreg:$0x0];
	s14 =	sand.u32 $0x1, s0;
	s30 =	sshll.u32 s6, $0x1  }
0x3: {  	s1 =	rddreg [dreg:$0x1];
	s2 =	simm.s32 $0x0;
	s3 =	sor.u32 s14, s30  }
0x4: {  	s7 =	simm.s32 $0x3100;
	s0 =	rddreg [dreg:$0x2];
	s4 =	smul.u32 $0xC4, s3  }
0x5: {  	[smem:$0x7FF] =	sst s2;
	p0 =	sne.s32 s6, $0x0;
	s3 =	smul.u32 $0x620, s3  }
0x6: {  	_ =	strace $0x80000047;
	s8 =	sshrl.u32 @!p0 s1, $0x3;
	s4 =	sadd.s32 s4, s13  }
0x7: {  	s9 =	simm.s32 @!p0 $0x1C03;
	s5 =	sadd.s32 s3, s13;
	s4 =	sadd.s32 $0xD400, s4  }
0x8: {  	[tilespmem:s7], [sflag:$0x1] =	stream.linear.gather [hbm4b:s4+s2], $0x620, $0x38;
	[tilespmem:$0x3920] =	vst v63  }
0x9: {  	s6 =	simm.s32 @!p0 $0x3;
	s3 =	sadd.s32 $0xEE00, s13;
	s5 =	sadd.s32 $0x1000, s5  }
0xa: {  	[tilespmem:s2], [sflag:$0x2] =	stream.linear.gather [hbm4b:s5+s2], $0x3100, $0x38;
	[tilespmem:$0x3920] =	vst v63  }
0xb: {  	[spmem:s8], [sflag:s9] =	dma.local @!p0 [hbm:s3], $0x400  }
0xc: {  	_ =	swait.ge @!p0 [sflag:s6], $0x400  }
0xd: {  	[sflag:s6] =	ssyncset.done @!p0 $0x0  }
0xe: {  	[sflag:s6] =	ssyncadd.s32 @!p0 $0xFFFFFC00  }
0xf: {  	s10 =	simm.s32 $0x1;
	[bflag:$0x0] =	sbarrier.arrive $0xFFFF  }
0x10: {  	_ =	swait.ge [sflag:s10], $0x620  }
0x11: {  	[sflag:s10] =	ssyncset.done $0x0  }
0x12: {  	s11 =	simm.s32 $0x2;
	s15 =	ssub.s32 $0x2, s14;
	[sflag:s10] =	ssyncadd.s32 $0xFFFFF9E0  }
0x13: {  	s16 =	sshrl.u32 s15, $0x1;
	_ =	swait.ge [sflag:s11], $0x3100  }
0x14: {  	s12 =	simm.s32 $0x620;
	s15 =	ssub.s32 s15, s16;
	[sflag:s11] =	ssyncset.done $0x0  }
0x15: {  	s14 =	sshll.u32 s14, $0xA;
	s31 =	smax.u32 s15, $0x1;
	[sflag:s11] =	ssyncadd.s32 $0xFFFFCF00  }
0x16: {  	[spmem:s1] =	stream.indirect.scatter.add.f32 [tilespmem:s2], [sflag:$0x1], $0x8, s7, s12, $0xb8;
	[tilespmem:$0x3920] =	vst v63  }
0x17: {  	s13 =	sadd.s32 s14, s13;
	s14 =	sadd.s32 $0xFFFFFFFF, s31;
	_ =	swait.ge [sflag:s10], $0x3100  }
0x18: {  	p1 =	sne.s32 s14, $0x0;
	[sflag:s10] =	ssyncset.done $0x0  }
.Ltmp0:
0x19: {  	[sflag:s10] =	ssyncadd.s32 $0xFFFFCF00;
	(pc) =	sbr.rel @!p1 .LBB2_2-.Ltmp0, $4  }
0x1a: {  	s13 =	sadd.s32 $0xF200, s13;
	[bflag:$0x0] =	sbarrier.arrive $0xFFFF  }
0x1b: {  	[hbm:s13], [sflag:s9] =	dma.local @!p0 [spmem:s8], $0x400  }
0x1c: {  	_ =	swait.ge @!p0 [sflag:s6], $0x400  }
0x1d: {  	[sflag:s6] =	ssyncset.done @!p0 $0x0  }
.LBB2_1:
0x1e: {  	s14 =	sadd.s32 $0xFFFFFFFF, s14;
	[sflag:s6] =	ssyncadd.s32 @!p0 $0xFFFFFC00  }
0x1f: {  	[tilespmem:s7], [sflag:$0x1] =	stream.linear.gather [hbm4b:s4+s2], $0x620, $0x38;
	[tilespmem:$0x3920] =	vst v63  }
0x20: {  	p1 =	sne.s32 s14, $0x0  }
0x21: {  	[tilespmem:s2], [sflag:$0x2] =	stream.linear.gather [hbm4b:s5+s2], $0x3100, $0x38;
	[tilespmem:$0x3920] =	vst v63  }
0x22: {  	[spmem:s8], [sflag:s9] =	dma.local @!p0 [hbm:s3], $0x400  }
0x23: {  	_ =	swait.ge @!p0 [sflag:s6], $0x400  }
0x24: {  	[sflag:s6] =	ssyncset.done @!p0 $0x0  }
0x25: {  	[sflag:s6] =	ssyncadd.s32 @!p0 $0xFFFFFC00  }
0x26: {  	[bflag:$0x0] =	sbarrier.arrive $0xFFFF  }
0x27: {  	_ =	swait.ge [sflag:s10], $0x620  }
0x28: {  	[sflag:s10] =	ssyncset.done $0x0  }
0x29: {  	[sflag:s10] =	ssyncadd.s32 $0xFFFFF9E0  }
0x2a: {  	_ =	swait.ge [sflag:s11], $0x3100  }
0x2b: {  	[sflag:s11] =	ssyncset.done $0x0  }
0x2c: {  	[sflag:s11] =	ssyncadd.s32 $0xFFFFCF00  }
0x2d: {  	[spmem:s1] =	stream.indirect.scatter.add.f32 [tilespmem:s2], [sflag:$0x1], $0x8, s7, s12, $0xb8;
	[tilespmem:$0x3920] =	vst v63  }
0x2e: {  	_ =	swait.ge [sflag:s10], $0x3100  }
0x2f: {  	[sflag:s10] =	ssyncset.done $0x0  }
.Ltmp1:
0x30: {  	[sflag:s10] =	ssyncadd.s32 $0xFFFFCF00;
	(pc) =	sbr.rel @p1 .LBB2_1-.Ltmp1, $4  }
0x31: {  	[bflag:$0x0] =	sbarrier.arrive $0xFFFF  }
0x32: {  	[hbm:s13], [sflag:s9] =	dma.local @!p0 [spmem:s8], $0x400  }
0x33: {  	_ =	swait.ge @!p0 [sflag:s6], $0x400  }
0x34: {  	[sflag:s6] =	ssyncset.done @!p0 $0x0  }
.LBB2_2:
0x35: {  	[sflag:s6] =	ssyncadd.s32 @!p0 $0xFFFFFC00  }
0x36: {  	_ =	sfence.sel $0x180000  }
0x37: {  	[bflag:$0x0] =	sbarrier.arrive $0xFFFF  }
0x38: {  	_ =	strace $0x90000047  }
0x39: {  	s0 =	sadd.s32 @!p0 $0x100000, s0;
	[bflag:$0x2] =	sbarrier.arrive $0xFFFF  }
0x3a: {  	[sflag:s0] =	ssyncadd.tile.s32 @!p0 $0x1;
	_ =	shalt  }
.Lfunc_end2:
_tile_overlayer_lowered:
.L_overlay_start_2:
0x3b: {  	(tag) =	ssettag $0x2  }
0x3c: {  	s0 =	rddreg [dreg:$0x0];
	s2 =	stileid.u32  }
0x3d: {  	s1 =	rddreg [dreg:$0x1];
	p0 =	sne.s32 s2, $0x0  }
0x3e: {  	s3 =	rddreg [dreg:$0x2];
	[bflag:$0x3] =	sbarrier.arrive $0xFFFF;
	s2 =	simm.s32 @!p0 $0x1C03  }
0x3f: {  	[timem:s3], [sflag:s2] =	dma.local @!p0 [hbm:s0], s1  }
0x40: {  	s0 =	simm.s32 @!p0 $0x3  }
0x41: {  	_ =	swait.ge @!p0 [sflag:s0], s1  }
0x42: {  	s1 =	ssub.s32 @!p0 $0x0, s1;
	[sflag:s0] =	ssyncset.done @!p0 $0x0  }
0x43: {  	[sflag:s0] =	ssyncadd.s32 @!p0 s1  }
0x44: {  	[bflag:$0x3] =	sbarrier.arrive $0xFFFF  }
0x45: {  	_ =	shalt  }

</sc_bundles>
